<compile_context>
chip_gen: v7x
topology: tpu7x:2x2x1
jax: 0.10.2.dev20260603
libtpu: 0.0.44.dev20260713+nightly
codegen_flags: <defaults>
</compile_context>

<pallas_src>
import functools

import jax
import jax.numpy as jnp
from jax import lax
from jax.experimental import pallas as pl
from jax.experimental.pallas import tpu as pltpu
from jax.experimental.pallas import tpu_sc as plsc


def _vocab_matmul_body(wv_ref, w_ref, out_ref):
    out_ref[...] = jnp.dot(wv_ref[...], w_ref[...],
                           preferred_element_type=jnp.float32,
                           precision=jax.lax.Precision.HIGHEST)


def _vocab_matmul(wv, W, bv):
    V, D = wv.shape
    out_dim = W.shape[1]
    return pl.pallas_call(
        _vocab_matmul_body,
        grid=(V // bv,),
        in_specs=[
            pl.BlockSpec((bv, D), lambda i: (i, 0)),
            pl.BlockSpec((D, out_dim), lambda i: (0, 0)),
        ],
        out_specs=pl.BlockSpec((bv, out_dim), lambda i: (i, 0)),
        out_shape=jax.ShapeDtypeStruct((V, out_dim), jnp.float32),
    )(wv, W)



_SC_CHUNK = 128


def _sc_bag(hw, tok_pad, seg_pad, zeros, n_acc, n_steps):
    info = plsc.get_sparse_core_info()
    nc, ns = info.num_cores, info.num_subcores
    mesh = plsc.VectorSubcoreMesh(core_axis_name="c", subcore_axis_name="s")

    @functools.partial(
        pl.kernel, mesh=mesh,
        out_type=jax.ShapeDtypeStruct((nc, n_acc, 8), jnp.float32),
        scratch_types=[
            pltpu.VMEM((n_steps, _SC_CHUNK), jnp.int32),
            pltpu.VMEM((n_steps, _SC_CHUNK), jnp.int32),
            pltpu.VMEM((_SC_CHUNK, 8), jnp.float32),
            pltpu.VMEM_SHARED((n_acc, 8), jnp.float32),
            pltpu.SemaphoreType.DMA,
        ],
        compiler_params=pltpu.CompilerParams(use_tc_tiling_on_sc=False),
    )
    def bag(hw_hbm, tok_hbm, seg_hbm, zeros_hbm, out_hbm,
            tok_v, seg_v, rows_v, acc_sh, sem):
        cid = lax.axis_index("c")
        sid = lax.axis_index("s")
        wid = sid * nc + cid
        pltpu.sync_copy(tok_hbm.at[wid], tok_v)
        pltpu.sync_copy(seg_hbm.at[wid], seg_v)

        @pl.when(sid == 0)
        def _():
            pltpu.sync_copy(zeros_hbm, acc_sh)

        plsc.subcore_barrier()

        def body(j, carry):
            pltpu.async_copy(hw_hbm.at[tok_v.at[j]], rows_v, sem).wait()
            pltpu.sync_copy(rows_v, acc_sh.at[seg_v.at[j]], add=True)
            return carry

        lax.fori_loop(0, n_steps, body, 0)
        plsc.subcore_barrier()

        @pl.when(sid == 0)
        def _():
            pltpu.sync_copy(acc_sh, out_hbm.at[cid])

    return bag(hw, tok_pad, seg_pad, zeros)



def _flash_gat_body(adj_ref, sums_r_ref, ic_r_ref, sums_t_ref, ic_t_ref,
                    sums_f_ref, ic_f_ref, av_ref, out_ref):
    n = adj_ref.shape[1]
    hr = sums_r_ref[...] * ic_r_ref[...]
    ht = sums_t_ref[...] * ic_t_ref[...]
    h16 = (sums_f_ref[...] * ic_f_ref[...]).astype(jnp.bfloat16)
    a00 = av_ref[0, 0]
    a01 = av_ref[0, 1]
    a10 = av_ref[0, 2]
    a11 = av_ref[0, 3]
    s = hr[:, 0] * a00 + hr[:, 1] * a01
    t = ht[0, :] * a10 + ht[1, :] * a11
    es1 = jnp.exp(s)[:, None]
    es2 = jnp.exp(0.2 * s)[:, None]
    et1 = jnp.exp(t)[None, :]
    et2 = jnp.exp(0.2 * t)[None, :]
    x = s[:, None] + t[None, :]
    pe = jnp.where(x >= 0, es1 * et1, es2 * et2)
    pm = jnp.where(adj_ref[...] > 0.5, pe, jnp.float32(0.0))
    denom = jnp.sum(pm, axis=1, keepdims=True)
    full = denom == 0.0
    alpha = (jnp.where(full, jnp.float32(1.0), pm)
             / jnp.where(full, jnp.float32(n), denom))
    out_ref[...] = jnp.dot(alpha.astype(jnp.bfloat16), h16,
                           preferred_element_type=jnp.float32)


def _flash_gat(adj, sums, sums_t, inv_counts, av, br):
    n = adj.shape[0]
    return pl.pallas_call(
        _flash_gat_body,
        grid=(n // br,),
        in_specs=[
            pl.BlockSpec((br, n), lambda i: (i, 0)),
            pl.BlockSpec((br, 2), lambda i: (i, 0)),
            pl.BlockSpec((br, 1), lambda i: (i, 0)),
            pl.BlockSpec((2, n), lambda i: (0, 0)),
            pl.BlockSpec((1, n), lambda i: (0, 0)),
            pl.BlockSpec((n, 2), lambda i: (0, 0)),
            pl.BlockSpec((n, 1), lambda i: (0, 0)),
            pl.BlockSpec((1, 4), lambda i: (0, 0)),
        ],
        out_specs=pl.BlockSpec((br, 2), lambda i: (i, 0)),
        out_shape=jax.ShapeDtypeStruct((n, 2), jnp.float32),
    )(adj, sums, inv_counts.reshape(n, 1), sums_t, inv_counts.reshape(1, n),
      sums, inv_counts.reshape(n, 1), av)



def kernel(inputs, offsets, adj_matrix, word_vectors, W, a_src, a_dst):
    n = adj_matrix.shape[0]
    t_tok = inputs.shape[0]
    n_workers = 32
    n_steps = -(-t_tok // (n_workers * _SC_CHUNK))
    t_pad = n_workers * n_steps * _SC_CHUNK
    n_acc = n + 8

    w_pad = jnp.pad(W, ((0, 0), (0, 8 - W.shape[1])))
    hw = _vocab_matmul(word_vectors, w_pad, bv=2000)

    bc = jnp.zeros((t_tok,), jnp.int32).at[offsets].add(1)
    seg = jnp.cumsum(bc) - 1
    tok_pad = jnp.pad(inputs, (0, t_pad - t_tok)).reshape(
        n_workers, n_steps, _SC_CHUNK)
    seg_pad = jnp.pad(seg, (0, t_pad - t_tok),
                      constant_values=n).reshape(n_workers, n_steps, _SC_CHUNK)
    zeros = jnp.zeros((n_acc, 8), jnp.float32)
    parts = _sc_bag(hw, tok_pad, seg_pad, zeros, n_acc, n_steps)
    sums = (parts[0, :n, :2] + parts[1, :n, :2])

    counts = jnp.diff(offsets, append=jnp.int32(t_tok)).astype(jnp.float32)
    inv_counts = 1.0 / jnp.maximum(counts, 1.0)

    av = jnp.concatenate([a_src, a_dst]).reshape(1, 4)
    return _flash_gat(adj_matrix, sums, sums.T, inv_counts, av, br=200)

# --- scband reference (transcript-rebuilt; emitter-appended) ---
"""Pipeline reference for scband-glove-gat-82660940579140 (READ-ONLY COPY).

The authoritative reference and input builder live on the scoring server;
editing this copy changes nothing except your own understanding.
"""

import jax, jax.numpy as jnp
import numpy as np

N = 10000
T = 200000
V = 100000
D = 300
OUT = 2


def setup_inputs(seed: int = 0) -> dict:
    key = jax.random.key(seed)
    k1, k2, k3, k4, k5, k6, k7 = jax.random.split(key, 7)
    inputs = jax.random.randint(k1, (T,), 0, V, dtype=jnp.int32)
    offsets = jnp.sort(jax.random.randint(k2, (N,), 0, T, dtype=jnp.int32))
    offsets = offsets.at[0].set(0)
    adj_matrix = jax.random.uniform(k3, (N, N), dtype=jnp.float32)
    # learned params: pretrained GloVe table + single-head GAT (K=1, output_size=2)
    word_vectors = jax.random.normal(k4, (V, D), dtype=jnp.float32) * 0.1
    W = jax.random.normal(k5, (D, OUT), dtype=jnp.float32) * (1.0 / np.sqrt(D))
    a_src = jax.random.normal(k6, (OUT,), dtype=jnp.float32) * 0.1
    a_dst = jax.random.normal(k7, (OUT,), dtype=jnp.float32) * 0.1
    return {"inputs": inputs, "offsets": offsets, "adj_matrix": adj_matrix,
            "word_vectors": word_vectors, "W": W, "a_src": a_src, "a_dst": a_dst}


def _embedding_bag_mean(table, token_ids, offsets, n_bags):
    # torch nn.EmbeddingBag(mode='mean') equivalent
    t = token_ids.shape[0]
    seg = jnp.searchsorted(offsets, jnp.arange(t, dtype=offsets.dtype), side="right") - 1
    seg = jnp.clip(seg, 0, n_bags - 1)
    emb = jnp.take(table, token_ids, axis=0)
    sums = jax.ops.segment_sum(emb, seg, num_segments=n_bags)
    counts = jax.ops.segment_sum(jnp.ones((t,), emb.dtype), seg, num_segments=n_bags)
    return sums / jnp.maximum(counts, 1.0)[:, None]


def reference(inputs, offsets, adj_matrix, word_vectors, W, a_src, a_dst):
    n = adj_matrix.shape[0]
    embedded = _embedding_bag_mean(word_vectors, inputs, offsets, n)  # [N, D]
    # GATFinal: single-head (K=1) GAT layer with dense adjacency, output_size=2
    h = embedded @ W                       # [N, 2]
    s = h @ a_src                          # [N]
    t_ = h @ a_dst                         # [N]
    e = s[:, None] + t_[None, :]           # [N, N]
    e = jax.nn.leaky_relu(e, negative_slope=0.2)
    mask = adj_matrix > 0.5
    e = jnp.where(mask, e, jnp.float32(-1e9))
    alpha = jax.nn.softmax(e, axis=1)      # [N, N]
    out = alpha @ h                        # [N, 2]
    return out

if __name__ == "__main__":
    import jax
    _d = setup_inputs()
    print(jax.jit(kernel)(*tuple(_d.values())))

</pallas_src>

<mosaic_0001>
#map = affine_map<(d0, d1) -> (0, 0)>
#map1 = affine_map<(d0, d1) -> (0, 0, 0)>
module attributes {stable_mosaic.version = 14 : i64} {
  func.func @bag(%arg0: i32, %arg1: i32, %arg2: memref<100000x8xf32, #tpu.memory_space<hbm>>, %arg3: memref<32x49x128xi32, #tpu.memory_space<hbm>>, %arg4: memref<32x49x128xi32, #tpu.memory_space<hbm>>, %arg5: memref<10008x8xf32, #tpu.memory_space<hbm>>, %arg6: memref<2x10008x8xf32, #tpu.memory_space<hbm>>, %arg7: memref<49x128xi32, #tpu.memory_space<vmem>>, %arg8: memref<49x128xi32, #tpu.memory_space<vmem>>, %arg9: memref<128x8xf32, #tpu.memory_space<vmem>>, %arg10: memref<10008x8xf32, #tpu.memory_space<vmem_shared>>, %arg11: memref<!tpu.dma_semaphore, #tpu.memory_space<semaphore_mem>>) attributes {dimension_semantics = [#tpu.dimension_semantics<core_parallel>, #tpu.dimension_semantics<subcore_parallel>], iteration_bounds = array<i64: 2, 16>, scalar_prefetch = 0 : i64, scratch_operands = 5 : i64, tpu.core_type = #tpu.core_type<sc_vector_subcore>, window_params = [{transform_indices = #map}, {transform_indices = #map1}, {transform_indices = #map1}, {transform_indices = #map}, {transform_indices = #map1}]} {
    %mul3A = arith.constant 2 : i32
    %mul3A_0 = arith.muli %arg1, %mul3A : i32
    %add3A = arith.addi %mul3A_0, %arg0 : i32
    "tpu.region"() ({
      %run_scoped3A = tpu.sem_alloc : memref<!tpu.dma_semaphore, #tpu.memory_space<semaphore_mem>>
      %dma_start3A = arith.constant 0 : i32
      %dma_start3A_14 = arith.constant 0 : i32
      %dma_start3A_15 = tpu.memref_slice %arg3[%add3A, %dma_start3A, %dma_start3A_14] : memref<32x49x128xi32, #tpu.memory_space<hbm>> -> memref<1x49x128xi32, #tpu.memory_space<hbm>>
      %dma_start3A_16 = tpu.memref_squeeze %dma_start3A_15 : memref<1x49x128xi32, #tpu.memory_space<hbm>> -> memref<49x128xi32, #tpu.memory_space<hbm>>
      %dma_start3A_17 = arith.constant 0 : i32
      %dma_start3A_18 = arith.constant 0 : i32
      %dma_start3A_19 = tpu.memref_slice %arg3[%add3A, %dma_start3A_17, %dma_start3A_18] : memref<32x49x128xi32, #tpu.memory_space<hbm>> -> memref<1x49x128xi32, #tpu.memory_space<hbm>>
      %dma_start3A_20 = tpu.memref_squeeze %dma_start3A_19 : memref<1x49x128xi32, #tpu.memory_space<hbm>> -> memref<49x128xi32, #tpu.memory_space<hbm>>
      tpu.enqueue_dma source(%dma_start3A_20 : memref<49x128xi32, #tpu.memory_space<hbm>>) target(%arg7 : memref<49x128xi32, #tpu.memory_space<vmem>>) target_semaphore(%run_scoped3A : memref<!tpu.dma_semaphore, #tpu.memory_space<semaphore_mem>>)
      %dma_wait3A = arith.constant 0 : i32
      %dma_wait3A_21 = arith.constant 0 : i32
      %dma_wait3A_22 = tpu.memref_slice %arg3[%add3A, %dma_wait3A, %dma_wait3A_21] : memref<32x49x128xi32, #tpu.memory_space<hbm>> -> memref<1x49x128xi32, #tpu.memory_space<hbm>>
      %dma_wait3A_23 = tpu.memref_squeeze %dma_wait3A_22 : memref<1x49x128xi32, #tpu.memory_space<hbm>> -> memref<49x128xi32, #tpu.memory_space<hbm>>
      %dma_wait3A_24 = arith.constant 0 : i32
      %dma_wait3A_25 = arith.constant 0 : i32
      %dma_wait3A_26 = tpu.memref_slice %arg3[%add3A, %dma_wait3A_24, %dma_wait3A_25] : memref<32x49x128xi32, #tpu.memory_space<hbm>> -> memref<1x49x128xi32, #tpu.memory_space<hbm>>
      %dma_wait3A_27 = tpu.memref_squeeze %dma_wait3A_26 : memref<1x49x128xi32, #tpu.memory_space<hbm>> -> memref<49x128xi32, #tpu.memory_space<hbm>>
      tpu.wait_dma2 semaphore(%run_scoped3A : memref<!tpu.dma_semaphore, #tpu.memory_space<semaphore_mem>>) src(%dma_wait3A_27 : memref<49x128xi32, #tpu.memory_space<hbm>>) dst(%arg7 : memref<49x128xi32, #tpu.memory_space<vmem>>)
      tpu.yield
    }) : () -> ()
    "tpu.region"() ({
      %run_scoped3A = tpu.sem_alloc : memref<!tpu.dma_semaphore, #tpu.memory_space<semaphore_mem>>
      %dma_start3A = arith.constant 0 : i32
      %dma_start3A_14 = arith.constant 0 : i32
      %dma_start3A_15 = tpu.memref_slice %arg4[%add3A, %dma_start3A, %dma_start3A_14] : memref<32x49x128xi32, #tpu.memory_space<hbm>> -> memref<1x49x128xi32, #tpu.memory_space<hbm>>
      %dma_start3A_16 = tpu.memref_squeeze %dma_start3A_15 : memref<1x49x128xi32, #tpu.memory_space<hbm>> -> memref<49x128xi32, #tpu.memory_space<hbm>>
      %dma_start3A_17 = arith.constant 0 : i32
      %dma_start3A_18 = arith.constant 0 : i32
      %dma_start3A_19 = tpu.memref_slice %arg4[%add3A, %dma_start3A_17, %dma_start3A_18] : memref<32x49x128xi32, #tpu.memory_space<hbm>> -> memref<1x49x128xi32, #tpu.memory_space<hbm>>
      %dma_start3A_20 = tpu.memref_squeeze %dma_start3A_19 : memref<1x49x128xi32, #tpu.memory_space<hbm>> -> memref<49x128xi32, #tpu.memory_space<hbm>>
      tpu.enqueue_dma source(%dma_start3A_20 : memref<49x128xi32, #tpu.memory_space<hbm>>) target(%arg8 : memref<49x128xi32, #tpu.memory_space<vmem>>) target_semaphore(%run_scoped3A : memref<!tpu.dma_semaphore, #tpu.memory_space<semaphore_mem>>)
      %dma_wait3A = arith.constant 0 : i32
      %dma_wait3A_21 = arith.constant 0 : i32
      %dma_wait3A_22 = tpu.memref_slice %arg4[%add3A, %dma_wait3A, %dma_wait3A_21] : memref<32x49x128xi32, #tpu.memory_space<hbm>> -> memref<1x49x128xi32, #tpu.memory_space<hbm>>
      %dma_wait3A_23 = tpu.memref_squeeze %dma_wait3A_22 : memref<1x49x128xi32, #tpu.memory_space<hbm>> -> memref<49x128xi32, #tpu.memory_space<hbm>>
      %dma_wait3A_24 = arith.constant 0 : i32
      %dma_wait3A_25 = arith.constant 0 : i32
      %dma_wait3A_26 = tpu.memref_slice %arg4[%add3A, %dma_wait3A_24, %dma_wait3A_25] : memref<32x49x128xi32, #tpu.memory_space<hbm>> -> memref<1x49x128xi32, #tpu.memory_space<hbm>>
      %dma_wait3A_27 = tpu.memref_squeeze %dma_wait3A_26 : memref<1x49x128xi32, #tpu.memory_space<hbm>> -> memref<49x128xi32, #tpu.memory_space<hbm>>
      tpu.wait_dma2 semaphore(%run_scoped3A : memref<!tpu.dma_semaphore, #tpu.memory_space<semaphore_mem>>) src(%dma_wait3A_27 : memref<49x128xi32, #tpu.memory_space<hbm>>) dst(%arg8 : memref<49x128xi32, #tpu.memory_space<vmem>>)
      tpu.yield
    }) : () -> ()
    %eq3A = arith.constant 0 : i32
    %eq3A_1 = arith.cmpi eq, %arg1, %eq3A : i32
    %convert_element_type3A = arith.extui %eq3A_1 : i1 to i32
    %cond3A = arith.constant 0 : i32
    %cond3A_2 = arith.cmpi ne, %convert_element_type3A, %cond3A : i32
    scf.if %cond3A_2 {
      "tpu.region"() ({
        %run_scoped3A = tpu.sem_alloc : memref<!tpu.dma_semaphore, #tpu.memory_space<semaphore_mem>>
        tpu.enqueue_dma source(%arg5 : memref<10008x8xf32, #tpu.memory_space<hbm>>) target(%arg10 : memref<10008x8xf32, #tpu.memory_space<vmem_shared>>) target_semaphore(%run_scoped3A : memref<!tpu.dma_semaphore, #tpu.memory_space<semaphore_mem>>)
        tpu.wait_dma2 semaphore(%run_scoped3A : memref<!tpu.dma_semaphore, #tpu.memory_space<semaphore_mem>>) src(%arg5 : memref<10008x8xf32, #tpu.memory_space<hbm>>) dst(%arg10 : memref<10008x8xf32, #tpu.memory_space<vmem_shared>>)
        tpu.yield
      }) : () -> ()
    } else {
    }
    %barrier3A = arith.constant 0 : index
    tpu.barrier barrier_id(%barrier3A)
    %scan3A = arith.constant 0 : i32
    %scan3A_3 = arith.constant 0 : i32
    %scan3A_4 = arith.constant 49 : i32
    %scan3A_5 = arith.addi %scan3A_3, %scan3A_4 : i32
    %scan3A_6 = arith.constant 1 : i32
    scf.for %scan3A_14 = %scan3A_3 to %scan3A_5 step %scan3A_6  : i32 {
      %dma_start3A = arith.constant 0 : i32
      %dma_start3A_15 = tpu.memref_slice %arg7[%scan3A_14, %dma_start3A] : memref<49x128xi32, #tpu.memory_space<vmem>> -> memref<1x128xi32, #tpu.memory_space<vmem>>
      %dma_start3A_16 = tpu.memref_squeeze %dma_start3A_15 : memref<1x128xi32, #tpu.memory_space<vmem>> -> memref<128xi32, #tpu.memory_space<vmem>>
      %dma_start3A_17 = arith.constant 0 : i32
      %dma_start3A_18 = arith.constant 0 : i32
      %dma_start3A_19 = tpu.memref_slice %arg2[%dma_start3A_17, %dma_start3A_18] : memref<100000x8xf32, #tpu.memory_space<hbm>> -> memref<100000x8xf32, #tpu.memory_space<hbm>>
      tpu.enqueue_indirect_dma source(%dma_start3A_19 : memref<100000x8xf32, #tpu.memory_space<hbm>>) target(%arg9 : memref<128x8xf32, #tpu.memory_space<vmem>>) offsets(%dma_start3A_16 : memref<128xi32, #tpu.memory_space<vmem>>) semaphore(%arg11 : memref<!tpu.dma_semaphore, #tpu.memory_space<semaphore_mem>>)
      %dma_wait3A = arith.constant 0 : i32
      %dma_wait3A_20 = tpu.memref_slice %arg7[%scan3A_14, %dma_wait3A] : memref<49x128xi32, #tpu.memory_space<vmem>> -> memref<1x128xi32, #tpu.memory_space<vmem>>
      %dma_wait3A_21 = tpu.memref_squeeze %dma_wait3A_20 : memref<1x128xi32, #tpu.memory_space<vmem>> -> memref<128xi32, #tpu.memory_space<vmem>>
      %dma_wait3A_22 = arith.constant 0 : i32
      %dma_wait3A_23 = arith.constant 0 : i32
      %dma_wait3A_24 = tpu.memref_slice %arg2[%dma_wait3A_22, %dma_wait3A_23] : memref<100000x8xf32, #tpu.memory_space<hbm>> -> memref<100000x8xf32, #tpu.memory_space<hbm>>
      tpu.wait_indirect_dma semaphore(%arg11 : memref<!tpu.dma_semaphore, #tpu.memory_space<semaphore_mem>>) src(%dma_wait3A_24 : memref<100000x8xf32, #tpu.memory_space<hbm>>) dst(%arg9 : memref<128x8xf32, #tpu.memory_space<vmem>>)
      "tpu.region"() ({
        %run_scoped3A = tpu.sem_alloc : memref<!tpu.dma_semaphore, #tpu.memory_space<semaphore_mem>>
        %dma_start3A_25 = arith.constant 0 : i32
        %dma_start3A_26 = tpu.memref_slice %arg8[%scan3A_14, %dma_start3A_25] : memref<49x128xi32, #tpu.memory_space<vmem>> -> memref<1x128xi32, #tpu.memory_space<vmem>>
        %dma_start3A_27 = tpu.memref_squeeze %dma_start3A_26 : memref<1x128xi32, #tpu.memory_space<vmem>> -> memref<128xi32, #tpu.memory_space<vmem>>
        %dma_start3A_28 = arith.constant 0 : i32
        %dma_start3A_29 = arith.constant 0 : i32
        %dma_start3A_30 = tpu.memref_slice %arg10[%dma_start3A_28, %dma_start3A_29] : memref<10008x8xf32, #tpu.memory_space<vmem_shared>> -> memref<10008x8xf32, #tpu.memory_space<vmem_shared>>
        tpu.enqueue_indirect_dma source(%arg9 : memref<128x8xf32, #tpu.memory_space<vmem>>) target(%dma_start3A_30 : memref<10008x8xf32, #tpu.memory_space<vmem_shared>>) offsets(%dma_start3A_27 : memref<128xi32, #tpu.memory_space<vmem>>) semaphore(%run_scoped3A : memref<!tpu.dma_semaphore, #tpu.memory_space<semaphore_mem>>) {add = true}
        %dma_wait3A_31 = arith.constant 0 : i32
        %dma_wait3A_32 = tpu.memref_slice %arg8[%scan3A_14, %dma_wait3A_31] : memref<49x128xi32, #tpu.memory_space<vmem>> -> memref<1x128xi32, #tpu.memory_space<vmem>>
        %dma_wait3A_33 = tpu.memref_squeeze %dma_wait3A_32 : memref<1x128xi32, #tpu.memory_space<vmem>> -> memref<128xi32, #tpu.memory_space<vmem>>
        %dma_wait3A_34 = arith.constant 0 : i32
        %dma_wait3A_35 = arith.constant 0 : i32
        %dma_wait3A_36 = tpu.memref_slice %arg10[%dma_wait3A_34, %dma_wait3A_35] : memref<10008x8xf32, #tpu.memory_space<vmem_shared>> -> memref<10008x8xf32, #tpu.memory_space<vmem_shared>>
        tpu.wait_indirect_dma semaphore(%run_scoped3A : memref<!tpu.dma_semaphore, #tpu.memory_space<semaphore_mem>>) src(%arg9 : memref<128x8xf32, #tpu.memory_space<vmem>>) dst(%dma_wait3A_36 : memref<10008x8xf32, #tpu.memory_space<vmem_shared>>)
        tpu.yield
      }) : () -> ()
    }
    %scan3A_7 = arith.constant 49 : i32
    %barrier3A_8 = arith.constant 0 : index
    tpu.barrier barrier_id(%barrier3A_8)
    %eq3A_9 = arith.constant 0 : i32
    %eq3A_10 = arith.cmpi eq, %arg1, %eq3A_9 : i32
    %convert_element_type3A_11 = arith.extui %eq3A_10 : i1 to i32
    %cond3A_12 = arith.constant 0 : i32
    %cond3A_13 = arith.cmpi ne, %convert_element_type3A_11, %cond3A_12 : i32
    scf.if %cond3A_13 {
      "tpu.region"() ({
        %run_scoped3A = tpu.sem_alloc : memref<!tpu.dma_semaphore, #tpu.memory_space<semaphore_mem>>
        %dma_start3A = arith.constant 0 : i32
        %dma_start3A_14 = arith.constant 0 : i32
        %dma_start3A_15 = tpu.memref_slice %arg6[%arg0, %dma_start3A, %dma_start3A_14] : memref<2x10008x8xf32, #tpu.memory_space<hbm>> -> memref<1x10008x8xf32, #tpu.memory_space<hbm>>
        %dma_start3A_16 = tpu.memref_squeeze %dma_start3A_15 : memref<1x10008x8xf32, #tpu.memory_space<hbm>> -> memref<10008x8xf32, #tpu.memory_space<hbm>>
        tpu.enqueue_dma source(%arg10 : memref<10008x8xf32, #tpu.memory_space<vmem_shared>>) target(%dma_start3A_16 : memref<10008x8xf32, #tpu.memory_space<hbm>>) target_semaphore(%run_scoped3A : memref<!tpu.dma_semaphore, #tpu.memory_space<semaphore_mem>>)
        %dma_wait3A = arith.constant 0 : i32
        %dma_wait3A_17 = arith.constant 0 : i32
        %dma_wait3A_18 = tpu.memref_slice %arg6[%arg0, %dma_wait3A, %dma_wait3A_17] : memref<2x10008x8xf32, #tpu.memory_space<hbm>> -> memref<1x10008x8xf32, #tpu.memory_space<hbm>>
        %dma_wait3A_19 = tpu.memref_squeeze %dma_wait3A_18 : memref<1x10008x8xf32, #tpu.memory_space<hbm>> -> memref<10008x8xf32, #tpu.memory_space<hbm>>
        tpu.wait_dma2 semaphore(%run_scoped3A : memref<!tpu.dma_semaphore, #tpu.memory_space<semaphore_mem>>) src(%arg10 : memref<10008x8xf32, #tpu.memory_space<vmem_shared>>) dst(%dma_wait3A_19 : memref<10008x8xf32, #tpu.memory_space<hbm>>)
        tpu.yield
      }) : () -> ()
    } else {
    }
    return
  }
}

module attributes {stable_mosaic.version = 14 : i64} {
  func.func @_vocab_matmul_body(%arg0: i32, %arg1: memref<2000x300xf32, #tpu.memory_space<vmem>>, %arg2: memref<300x8xf32, #tpu.memory_space<vmem>>, %arg3: memref<2000x8xf32, #tpu.memory_space<vmem>>) attributes {dimension_semantics = [#tpu.dimension_semantics<arbitrary>], iteration_bounds = array<i64: 50>, scalar_prefetch = 0 : i64, scratch_operands = 0 : i64, tpu.core_type = #tpu.core_type<tc>, window_params = [{transform_indices = @transform_0, window_bounds = array<i64: 2000, 300>}, {pipeline_mode = #tpu.pipeline_mode<synchronous>, transform_indices = @transform_1, window_bounds = array<i64: 300, 8>}, {transform_indices = @transform_2, window_bounds = array<i64: 2000, 8>}]} {
    %get3A = arith.constant 0 : index
    %get3A_0 = arith.constant 0 : index
    %get3A_1 = vector.load %arg1[%get3A, %get3A_0] : memref<2000x300xf32, #tpu.memory_space<vmem>>, vector<2000x300xf32>
    %get3A_2 = arith.constant 0 : index
    %get3A_3 = arith.constant 0 : index
    %get3A_4 = vector.load %arg2[%get3A_2, %get3A_3] : memref<300x8xf32, #tpu.memory_space<vmem>>, vector<300x8xf32>
    %dot_general3A = arith.constant dense<0.000000e+00> : vector<2000x8xf32>
    %dot_general3A_5 = tpu.matmul %get3A_1, %get3A_4, %dot_general3A {dimension_numbers = #tpu.dot_dimension_numbers<[1], [0], [0], [1], [0, 0, 1, 1], [], []>, precision = #tpu.contract_precision<fp32>, transpose_lhs_hint = false} : vector<2000x300xf32>, vector<300x8xf32>, vector<2000x8xf32> -> vector<2000x8xf32>
    %swap3A = arith.constant 0 : index
    %swap3A_6 = arith.constant 0 : index
    %swap3A_7 = vector.load %arg3[%swap3A, %swap3A_6] : memref<2000x8xf32, #tpu.memory_space<vmem>>, vector<2000x8xf32>
    tpu.vector_store %arg3[%swap3A, %swap3A_6], %dot_general3A_5 {strides = array<i32>} : memref<2000x8xf32, #tpu.memory_space<vmem>>, vector<2000x8xf32>,
    return
  }
  func.func @transform_0(%arg0: i32) -> (i32, i32) {
    %c0_i32 = arith.constant 0 : i32
    %c0_i32_0 = arith.constant 0 : i32
    return %arg0, %c0_i32 : i32, i32
  }
  func.func @transform_1(%arg0: i32) -> (i32, i32) {
    %c0_i32 = arith.constant 0 : i32
    %c0_i32_0 = arith.constant 0 : i32
    %c0_i32_1 = arith.constant 0 : i32
    return %c0_i32, %c0_i32_0 : i32, i32
  }
  func.func @transform_2(%arg0: i32) -> (i32, i32) {
    %c0_i32 = arith.constant 0 : i32
    %c0_i32_0 = arith.constant 0 : i32
    return %arg0, %c0_i32 : i32, i32
  }
}

module attributes {stable_mosaic.version = 14 : i64} {
  func.func @_flash_gat_body(%arg0: i32, %arg1: memref<200x10000xf32, #tpu.memory_space<vmem>>, %arg2: memref<200x2xf32, #tpu.memory_space<vmem>>, %arg3: memref<200x1xf32, #tpu.memory_space<vmem>>, %arg4: memref<2x10000xf32, #tpu.memory_space<vmem>>, %arg5: memref<1x10000xf32, #tpu.memory_space<vmem>>, %arg6: memref<10000x2xf32, #tpu.memory_space<vmem>>, %arg7: memref<10000x1xf32, #tpu.memory_space<vmem>>, %arg8: memref<1x4xf32, #tpu.memory_space<vmem>>, %arg9: memref<200x2xf32, #tpu.memory_space<vmem>>) attributes {dimension_semantics = [#tpu.dimension_semantics<arbitrary>], iteration_bounds = array<i64: 50>, scalar_prefetch = 0 : i64, scratch_operands = 0 : i64, tpu.core_type = #tpu.core_type<tc>, window_params = [{transform_indices = @transform_0, window_bounds = array<i64: 200, 10000>}, {transform_indices = @transform_1, window_bounds = array<i64: 200, 2>}, {transform_indices = @transform_2, window_bounds = array<i64: 200, 1>}, {pipeline_mode = #tpu.pipeline_mode<synchronous>, transform_indices = @transform_3, window_bounds = array<i64: 2, 10000>}, {pipeline_mode = #tpu.pipeline_mode<synchronous>, transform_indices = @transform_4, window_bounds = array<i64: 1, 10000>}, {pipeline_mode = #tpu.pipeline_mode<synchronous>, transform_indices = @transform_5, window_bounds = array<i64: 10000, 2>}, {pipeline_mode = #tpu.pipeline_mode<synchronous>, transform_indices = @transform_6, window_bounds = array<i64: 10000, 1>}, {pipeline_mode = #tpu.pipeline_mode<synchronous>, transform_indices = @transform_7, window_bounds = array<i64: 1, 4>}, {transform_indices = @transform_8, window_bounds = array<i64: 200, 2>}]} {
    %get3A = arith.constant 0 : index
    %get3A_0 = arith.constant 0 : index
    %get3A_1 = vector.load %arg2[%get3A, %get3A_0] : memref<200x2xf32, #tpu.memory_space<vmem>>, vector<200x2xf32>
    %get3A_2 = arith.constant 0 : index
    %get3A_3 = arith.constant 0 : index
    %get3A_4 = vector.load %arg3[%get3A_2, %get3A_3] : memref<200x1xf32, #tpu.memory_space<vmem>>, vector<200x1xf32>
    %mul3A = vector.broadcast %get3A_4 : vector<200x1xf32> to vector<200x2xf32>
    %mul3A_5 = arith.mulf %get3A_1, %mul3A : vector<200x2xf32>
    %get3A_6 = arith.constant 0 : index
    %get3A_7 = arith.constant 0 : index
    %get3A_8 = vector.load %arg4[%get3A_6, %get3A_7] : memref<2x10000xf32, #tpu.memory_space<vmem>>, vector<2x10000xf32>
    %get3A_9 = arith.constant 0 : index
    %get3A_10 = arith.constant 0 : index
    %get3A_11 = vector.load %arg5[%get3A_9, %get3A_10] : memref<1x10000xf32, #tpu.memory_space<vmem>>, vector<1x10000xf32>
    %mul3A_12 = vector.broadcast %get3A_11 : vector<1x10000xf32> to vector<2x10000xf32>
    %mul3A_13 = arith.mulf %get3A_8, %mul3A_12 : vector<2x10000xf32>
    %get3A_14 = arith.constant 0 : index
    %get3A_15 = arith.constant 0 : index
    %get3A_16 = vector.load %arg6[%get3A_14, %get3A_15] : memref<10000x2xf32, #tpu.memory_space<vmem>>, vector<10000x2xf32>
    %get3A_17 = arith.constant 0 : index
    %get3A_18 = arith.constant 0 : index
    %get3A_19 = vector.load %arg7[%get3A_17, %get3A_18] : memref<10000x1xf32, #tpu.memory_space<vmem>>, vector<10000x1xf32>
    %mul3A_20 = vector.broadcast %get3A_19 : vector<10000x1xf32> to vector<10000x2xf32>
    %mul3A_21 = arith.mulf %get3A_16, %mul3A_20 : vector<10000x2xf32>
    %convert_element_type3A = arith.truncf %mul3A_21 : vector<10000x2xf32> to vector<10000x2xbf16>
    %get3A_22 = arith.constant 0 : index
    %get3A_23 = arith.constant 0 : index
    %get3A_24 = vector.load %arg8[%get3A_22, %get3A_23] : memref<1x4xf32, #tpu.memory_space<vmem>>, vector<1x1xf32>
    %get3A_25 = vector.extract %get3A_24[0, 0] : f32 from vector<1x1xf32>
    %get3A_26 = arith.constant 0 : index
    %get3A_27 = arith.constant 1 : index
    %get3A_28 = vector.load %arg8[%get3A_26, %get3A_27] : memref<1x4xf32, #tpu.memory_space<vmem>>, vector<1x1xf32>
    %get3A_29 = vector.extract %get3A_28[0, 0] : f32 from vector<1x1xf32>
    %get3A_30 = arith.constant 0 : index
    %get3A_31 = arith.constant 2 : index
    %get3A_32 = vector.load %arg8[%get3A_30, %get3A_31] : memref<1x4xf32, #tpu.memory_space<vmem>>, vector<1x1xf32>
    %get3A_33 = vector.extract %get3A_32[0, 0] : f32 from vector<1x1xf32>
    %get3A_34 = arith.constant 0 : index
    %get3A_35 = arith.constant 3 : index
    %get3A_36 = vector.load %arg8[%get3A_34, %get3A_35] : memref<1x4xf32, #tpu.memory_space<vmem>>, vector<1x1xf32>
    %get3A_37 = vector.extract %get3A_36[0, 0] : f32 from vector<1x1xf32>
    %slice3A = vector.extract_strided_slice %mul3A_5 {offsets = [0, 0], sizes = [200, 1], strides = [1, 1]} : vector<200x2xf32> to vector<200x1xf32>
    %squeeze3A = vector.shape_cast %slice3A : vector<200x1xf32> to vector<200xf32>
    %mul3A_38 = vector.broadcast %get3A_25 : f32 to vector<200xf32>
    %mul3A_39 = arith.mulf %squeeze3A, %mul3A_38 : vector<200xf32>
    %slice3A_40 = vector.extract_strided_slice %mul3A_5 {offsets = [0, 1], sizes = [200, 1], strides = [1, 1]} : vector<200x2xf32> to vector<200x1xf32>
    %squeeze3A_41 = vector.shape_cast %slice3A_40 : vector<200x1xf32> to vector<200xf32>
    %mul3A_42 = vector.broadcast %get3A_29 : f32 to vector<200xf32>
    %mul3A_43 = arith.mulf %squeeze3A_41, %mul3A_42 : vector<200xf32>
    %add3A = arith.addf %mul3A_39, %mul3A_43 : vector<200xf32>
    %slice3A_44 = vector.extract_strided_slice %mul3A_13 {offsets = [0, 0], sizes = [1, 10000], strides = [1, 1]} : vector<2x10000xf32> to vector<1x10000xf32>
    %squeeze3A_45 = vector.shape_cast %slice3A_44 : vector<1x10000xf32> to vector<10000xf32>
    %mul3A_46 = vector.broadcast %get3A_33 : f32 to vector<10000xf32>
    %mul3A_47 = arith.mulf %squeeze3A_45, %mul3A_46 : vector<10000xf32>
    %slice3A_48 = vector.extract_strided_slice %mul3A_13 {offsets = [1, 0], sizes = [1, 10000], strides = [1, 1]} : vector<2x10000xf32> to vector<1x10000xf32>
    %squeeze3A_49 = vector.shape_cast %slice3A_48 : vector<1x10000xf32> to vector<10000xf32>
    %mul3A_50 = vector.broadcast %get3A_37 : f32 to vector<10000xf32>
    %mul3A_51 = arith.mulf %squeeze3A_49, %mul3A_50 : vector<10000xf32>
    %add3A_52 = arith.addf %mul3A_47, %mul3A_51 : vector<10000xf32>
    %exp3A = math.exp %add3A : vector<200xf32>
    %broadcast_in_dim3A = vector.shape_cast %exp3A : vector<200xf32> to vector<200x1xf32>
    %mul3A_53 = arith.constant 2.000000e-01 : f32
    %mul3A_54 = vector.broadcast %mul3A_53 : f32 to vector<200xf32>
    %mul3A_55 = arith.mulf %mul3A_54, %add3A : vector<200xf32>
    %exp3A_56 = math.exp %mul3A_55 : vector<200xf32>
    %broadcast_in_dim3A_57 = vector.shape_cast %exp3A_56 : vector<200xf32> to vector<200x1xf32>
    %exp3A_58 = math.exp %add3A_52 : vector<10000xf32>
    %broadcast_in_dim3A_59 = vector.shape_cast %exp3A_58 : vector<10000xf32> to vector<1x10000xf32>
    %mul3A_60 = arith.constant 2.000000e-01 : f32
    %mul3A_61 = vector.broadcast %mul3A_60 : f32 to vector<10000xf32>
    %mul3A_62 = arith.mulf %mul3A_61, %add3A_52 : vector<10000xf32>
    %exp3A_63 = math.exp %mul3A_62 : vector<10000xf32>
    %broadcast_in_dim3A_64 = vector.shape_cast %exp3A_63 : vector<10000xf32> to vector<1x10000xf32>
    %broadcast_in_dim3A_65 = vector.shape_cast %add3A : vector<200xf32> to vector<200x1xf32>
    %broadcast_in_dim3A_66 = vector.shape_cast %add3A_52 : vector<10000xf32> to vector<1x10000xf32>
    %add3A_67 = vector.broadcast %broadcast_in_dim3A_65 : vector<200x1xf32> to vector<200x10000xf32>
    %add3A_68 = vector.broadcast %broadcast_in_dim3A_66 : vector<1x10000xf32> to vector<200x10000xf32>
    %add3A_69 = arith.addf %add3A_67, %add3A_68 : vector<200x10000xf32>
    %ge3A = arith.constant 0.000000e+00 : f32
    %ge3A_70 = vector.broadcast %ge3A : f32 to vector<200x10000xf32>
    %ge3A_71 = arith.cmpf oge, %add3A_69, %ge3A_70 : vector<200x10000xf32>
    %mul3A_72 = vector.broadcast %broadcast_in_dim3A : vector<200x1xf32> to vector<200x10000xf32>
    %mul3A_73 = vector.broadcast %broadcast_in_dim3A_59 : vector<1x10000xf32> to vector<200x10000xf32>
    %mul3A_74 = arith.mulf %mul3A_72, %mul3A_73 : vector<200x10000xf32>
    %mul3A_75 = vector.broadcast %broadcast_in_dim3A_57 : vector<200x1xf32> to vector<200x10000xf32>
    %mul3A_76 = vector.broadcast %broadcast_in_dim3A_64 : vector<1x10000xf32> to vector<200x10000xf32>
    %mul3A_77 = arith.mulf %mul3A_75, %mul3A_76 : vector<200x10000xf32>
    %select_n3A = arith.select %ge3A_71, %mul3A_74, %mul3A_77 : vector<200x10000xi1>, vector<200x10000xf32>
    %get3A_78 = arith.constant 0 : index
    %get3A_79 = arith.constant 0 : index
    %get3A_80 = vector.load %arg1[%get3A_78, %get3A_79] : memref<200x10000xf32, #tpu.memory_space<vmem>>, vector<200x10000xf32>
    %gt3A = arith.constant 5.000000e-01 : f32
    %gt3A_81 = vector.broadcast %gt3A : f32 to vector<200x10000xf32>
    %gt3A_82 = arith.cmpf ogt, %get3A_80, %gt3A_81 : vector<200x10000xf32>
    %jit3A = arith.constant 0.000000e+00 : f32
    %broadcast_in_dim3A_83 = vector.broadcast %jit3A : f32 to vector<200x10000xf32>
    %select_n3A_84 = arith.select %gt3A_82, %select_n3A, %broadcast_in_dim3A_83 : vector<200x10000xi1>, vector<200x10000xf32>
    %reduce_sum3A = arith.constant dense<0.000000e+00> : vector<200xf32>
    %reduce_sum3A_85 = vector.multi_reduction <add>, %select_n3A_84, %reduce_sum3A [1] : vector<200x10000xf32> to vector<200xf32>
    %broadcast_in_dim3A_86 = vector.shape_cast %reduce_sum3A_85 : vector<200xf32> to vector<200x1xf32>
    %eq3A = arith.constant 0.000000e+00 : f32
    %eq3A_87 = vector.broadcast %eq3A : f32 to vector<200x1xf32>
    %eq3A_88 = arith.cmpf oeq, %broadcast_in_dim3A_86, %eq3A_87 : vector<200x1xf32>
    %jit3A_89 = arith.constant 1.000000e+00 : f32
    %broadcast_in_dim3A_90 = vector.shape_cast %eq3A_88 : vector<200x1xi1> to vector<200x1xi1>
    %broadcast_in_dim3A_91 = vector.broadcast %broadcast_in_dim3A_90 : vector<200x1xi1> to vector<200x10000xi1>
    %broadcast_in_dim3A_92 = vector.broadcast %jit3A_89 : f32 to vector<200x10000xf32>
    %select_n3A_93 = arith.select %broadcast_in_dim3A_91, %broadcast_in_dim3A_92, %select_n3A_84 : vector<200x10000xi1>, vector<200x10000xf32>
    %jit3A_94 = arith.constant 1.000000e+04 : f32
    %broadcast_in_dim3A_95 = vector.broadcast %jit3A_94 : f32 to vector<200x1xf32>
    %select_n3A_96 = arith.select %eq3A_88, %broadcast_in_dim3A_95, %broadcast_in_dim3A_86 : vector<200x1xi1>, vector<200x1xf32>
    %div3A = vector.broadcast %select_n3A_96 : vector<200x1xf32> to vector<200x10000xf32>
    %div3A_97 = arith.divf %select_n3A_93, %div3A : vector<200x10000xf32>
    %convert_element_type3A_98 = arith.truncf %div3A_97 : vector<200x10000xf32> to vector<200x10000xbf16>
    %dot_general3A = arith.constant dense<0.000000e+00> : vector<200x2xf32>
    %dot_general3A_99 = tpu.matmul %convert_element_type3A_98, %convert_element_type3A, %dot_general3A {dimension_numbers = #tpu.dot_dimension_numbers<[1], [0], [0], [1], [0, 0, 1, 1], [], []>, transpose_lhs_hint = false} : vector<200x10000xbf16>, vector<10000x2xbf16>, vector<200x2xf32> -> vector<200x2xf32>
    %swap3A = arith.constant 0 : index
    %swap3A_100 = arith.constant 0 : index
    %swap3A_101 = vector.load %arg9[%swap3A, %swap3A_100] : memref<200x2xf32, #tpu.memory_space<vmem>>, vector<200x2xf32>
    tpu.vector_store %arg9[%swap3A, %swap3A_100], %dot_general3A_99 {strides = array<i32>} : memref<200x2xf32, #tpu.memory_space<vmem>>, vector<200x2xf32>,
    return
  }
  func.func @transform_0(%arg0: i32) -> (i32, i32) {
    %c0_i32 = arith.constant 0 : i32
    %c0_i32_0 = arith.constant 0 : i32
    return %arg0, %c0_i32 : i32, i32
  }
  func.func @transform_1(%arg0: i32) -> (i32, i32) {
    %c0_i32 = arith.constant 0 : i32
    %c0_i32_0 = arith.constant 0 : i32
    return %arg0, %c0_i32 : i32, i32
  }
  func.func @transform_2(%arg0: i32) -> (i32, i32) {
    %c0_i32 = arith.constant 0 : i32
    %c0_i32_0 = arith.constant 0 : i32
    return %arg0, %c0_i32 : i32, i32
  }
  func.func @transform_3(%arg0: i32) -> (i32, i32) {
    %c0_i32 = arith.constant 0 : i32
    %c0_i32_0 = arith.constant 0 : i32
    %c0_i32_1 = arith.constant 0 : i32
    return %c0_i32, %c0_i32_0 : i32, i32
  }
  func.func @transform_4(%arg0: i32) -> (i32, i32) {
    %c0_i32 = arith.constant 0 : i32
    %c0_i32_0 = arith.constant 0 : i32
    %c0_i32_1 = arith.constant 0 : i32
    return %c0_i32, %c0_i32_0 : i32, i32
  }
  func.func @transform_5(%arg0: i32) -> (i32, i32) {
    %c0_i32 = arith.constant 0 : i32
    %c0_i32_0 = arith.constant 0 : i32
    %c0_i32_1 = arith.constant 0 : i32
    return %c0_i32, %c0_i32_0 : i32, i32
  }
  func.func @transform_6(%arg0: i32) -> (i32, i32) {
    %c0_i32 = arith.constant 0 : i32
    %c0_i32_0 = arith.constant 0 : i32
    %c0_i32_1 = arith.constant 0 : i32
    return %c0_i32, %c0_i32_0 : i32, i32
  }
  func.func @transform_7(%arg0: i32) -> (i32, i32) {
    %c0_i32 = arith.constant 0 : i32
    %c0_i32_0 = arith.constant 0 : i32
    %c0_i32_1 = arith.constant 0 : i32
    return %c0_i32, %c0_i32_0 : i32, i32
  }
  func.func @transform_8(%arg0: i32) -> (i32, i32) {
    %c0_i32 = arith.constant 0 : i32
    %c0_i32_0 = arith.constant 0 : i32
    return %arg0, %c0_i32 : i32, i32
  }
}

</mosaic_0001>

<sc_bundles>
// kernel: kernel.5.cloned.1.call-start
scs
__scs_entry_jumppad:
0x0: {  	(pc) =	sbr.rel $0x88, $3  }
0x1: {  	(tag) =	ssettag $0x0;
	lr =	simm.s32 $0x1  }
0x2: {  	[smem:$0x3F9A] =	sst lr;
	_ =	strace $0xD0000000  }
0x3: {  	_ = 	snop  }
0x4: {  	_ = 	snop  }
0x5: {  	_ = 	snop  }
0x6: {  	_ = 	snop  }
0x7: {  	_ = 	snop  }
__scs_overlays_trampoline_lowered:
0x8: {  	[smem:$0x3FA9] =	sst s0  }
0x9: {  	[smem:$0x3FAA] =	sst s1  }
0xa: {  	[smem:$0x3FAB] =	sst s2  }
0xb: {  	[smem:$0x3FAC] =	sst s3  }
0xc: {  	[smem:$0x3FAD] =	sst s4  }
0xd: {  	[smem:$0x3FAE] =	sst s5  }
0xe: {  	[smem:$0x3FAF] =	sst s6  }
0xf: {  	[smem:$0x3FB0] =	sst s7  }
0x10: {  	[smem:$0x3FB1] =	sst s8  }
0x11: {  	[smem:$0x3FB2] =	sst s9;
	s0 =	simm.s32 @!p0 $0x0  }
0x12: {  	s1 =	sld [smem:$0x3F98];
	s0 =	simm.s32 @p0 $0x1  }
0x13: {  	[smem:$0x3FB3] =	sst s0;
	s0 =	simm.s32 @!p1 $0x0  }
0x14: {  	s2 =	sld [smem:$0x3F97];
	s0 =	simm.s32 @p1 $0x1  }
0x15: {  	[smem:$0x3FB4] =	sst s0;
	s0 =	simm.s32 @!p2 $0x0  }
0x16: {  	s3 =	sld [smem:$0x3FDB];
	s0 =	simm.s32 @p2 $0x1  }
0x17: {  	s4 =	simm.s32 $0x1BF5;
	[smem:$0x3FB6] =	sst s0  }
0x18: {  	s0 =	sld [smem:$0x3F99];
	_ =	swait.ge [sflag:s4], $0x0  }
0x19: {  	s7 =	sld [smem:$0x3F9A]  }
0x1a: {  	s8 =	sadd.s32 $0xFFFFE003, lr  }
0x1b: {  	s9 =	sadd.s32 $0xFFFFFEF7, lr;
	s5 =	simm.s32 $0xFFFFFFFF;
	p2 =	slt.u32 s8, $0xFFFFF086  }
0x1c: {  	p1 =	slt.u32 s9, $0xF7A;
	s5 =	simm.s32 @!p2 $0x0  }
0x1d: {  	s5 =	simm.s32 @p1 $0x1;
	p0 =	seq.s32 s7, s2  }
0x1e: {  	s7 =	smul.u32 @!p0 $0xF7A, s2;
	p2 =	seq.s32 @!p0 s5, $0x0  }
0x1f: {  	s9 =	smul.u32 $0xF7A, s1;
	s8 =	simm.s32 @!p0 $0x1BF5;
	p2 =	por !p2, p0  }
0x20: {  	[sflag:s8] =	ssyncset.s32 @!p0 $0xFFFFF086;
	s6 =	sadd.s32 @!p0 s3, s7;
	s7 =	simm.s32 @!p0 $0x108  }
0x21: {  	s3 =	sadd.s32 s3, s9;
	s6 =	sadd.s32 @!p0 $0x88, s6;
	s7 =	simm.s32 @p2 $0x1082  }
0x22: {  	[simem:s7], [sflag:s8] =	dma.local @!p0 [hbm:s6], $0xF7A  }
0x23: {  	s9 =	sor.u32 $0xD0000000, s2;
	s6 =	simm.s32 $0x108;
	_ =	swait.ge @!p0 [sflag:s8], $0x0  }
0x24: {  	s3 =	sadd.s32 $0x88, s3;
	s6 =	simm.s32 @!p1 $0x1082;
	[sflag:s4] =	ssyncset.s32 $0xFFFFF086  }
0x25: {  	[simem:s6], [sflag:s4] =	dma.local [hbm:s3], $0xF7A  }
0x26: {  	[smem:$0x3F9A] =	sst s1;
	(tag) =	ssettag s2;
	_ =	strace s9  }
0x27: {  	s1 =	sld [smem:$0x3FAA]  }
0x28: {  	s2 =	sld [smem:$0x3FAB]  }
0x29: {  	s4 =	sld [smem:$0x3FAD]  }
0x2a: {  	p0 =	seq.s32 s5, $0x0;
	s5 =	sld [smem:$0x3FAE]  }
0x2b: {  	s6 =	sld [smem:$0x3FAF]  }
0x2c: {  	s7 =	sld [smem:$0x3FB0]  }
0x2d: {  	s3 =	simm.s32 $0x108;
	s8 =	sld [smem:$0x3FB1]  }
0x2e: {  	s3 =	simm.s32 @!p0 $0x1082;
	s9 =	sld [smem:$0x3FB2]  }
0x2f: {  	lr =	sadd.s32 s0, s3;
	s0 =	sld [smem:$0x3FA9]  }
0x30: {  	s3 =	sld [smem:$0x3FAC]  }
0x31: {  	[smem:$0x3FB5] =	sst s10  }
0x32: {  	s10 =	sld [smem:$0x3FB3];
	_ =	sdelay $0x3  }
0x33: {  	p0 =	seq.s32 s10, $0x1;
	s10 =	sld [smem:$0x3FB5];
	_ =	sdelay $0x3  }
0x34: {  	[smem:$0x3FB5] =	sst s10  }
0x35: {  	s10 =	sld [smem:$0x3FB4];
	_ =	sdelay $0x3  }
0x36: {  	p1 =	seq.s32 s10, $0x1;
	s10 =	sld [smem:$0x3FB5];
	_ =	sdelay $0x3  }
0x37: {  	[smem:$0x3FB5] =	sst s10  }
0x38: {  	s10 =	sld [smem:$0x3FB6]  }
0x39: {  	_ = 	snop;
	(pc) =	sbr.ind lr, $3  }
0x3a: {  	_ = 	snop  }
0x3b: {  	_ = 	snop  }
0x3c: {  	p2 =	seq.s32 s10, $0x1;
	s10 =	sld [smem:$0x3FB5]  }
0x3d: {  	_ =	shalt  }
0x3e: {  	_ =	shalt  }
0x3f: {  	_ =	shalt  }
0x40: {  	_ =	shalt  }
0x41: {  	_ =	shalt  }
0x42: {  	_ =	shalt  }
0x43: {  	_ =	shalt  }
0x44: {  	_ =	shalt  }
0x45: {  	_ =	shalt  }
0x46: {  	_ =	shalt  }
0x47: {  	_ =	shalt  }
0x48: {  	_ =	shalt  }
0x49: {  	_ =	shalt  }
0x4a: {  	_ =	shalt  }
0x4b: {  	_ =	shalt  }
0x4c: {  	_ =	shalt  }
0x4d: {  	_ =	shalt  }
0x4e: {  	_ =	shalt  }
0x4f: {  	_ =	shalt  }
0x50: {  	_ =	shalt  }
0x51: {  	_ =	shalt  }
0x52: {  	_ =	shalt  }
0x53: {  	_ =	shalt  }
0x54: {  	_ =	shalt  }
0x55: {  	_ =	shalt  }
0x56: {  	_ =	shalt  }
0x57: {  	_ =	shalt  }
0x58: {  	_ =	shalt  }
0x59: {  	_ =	shalt  }
0x5a: {  	_ =	shalt  }
0x5b: {  	_ =	shalt  }
0x5c: {  	_ =	shalt  }
0x5d: {  	_ =	shalt  }
0x5e: {  	_ =	shalt  }
0x5f: {  	_ =	shalt  }
0x60: {  	_ =	shalt  }
0x61: {  	_ =	shalt  }
0x62: {  	_ =	shalt  }
0x63: {  	_ =	shalt  }
0x64: {  	_ =	shalt  }
0x65: {  	_ =	shalt  }
0x66: {  	_ =	shalt  }
0x67: {  	_ =	shalt  }
0x68: {  	_ =	shalt  }
0x69: {  	_ =	shalt  }
0x6a: {  	_ =	shalt  }
0x6b: {  	_ =	shalt  }
0x6c: {  	_ =	shalt  }
0x6d: {  	_ =	shalt  }
0x6e: {  	_ =	shalt  }
0x6f: {  	_ =	shalt  }
0x70: {  	_ =	shalt  }
0x71: {  	_ =	shalt  }
0x72: {  	_ =	shalt  }
0x73: {  	_ =	shalt  }
0x74: {  	_ =	shalt  }
0x75: {  	_ =	shalt  }
0x76: {  	_ =	shalt  }
0x77: {  	_ =	shalt  }
0x78: {  	_ =	shalt  }
0x79: {  	_ =	shalt  }
0x7a: {  	_ =	shalt  }
0x7b: {  	_ =	shalt  }
0x7c: {  	_ =	shalt  }
0x7d: {  	_ =	shalt  }
0x7e: {  	_ =	shalt  }
0x7f: {  	_ =	shalt  }
0x80: {  	_ =	shalt  }
0x81: {  	_ =	shalt  }
0x82: {  	_ =	shalt  }
0x83: {  	_ =	shalt  }
0x84: {  	_ =	shalt  }
0x85: {  	_ =	shalt  }
0x86: {  	_ =	shalt  }
0x87: {  	_ =	shalt  }
.Lfunc_end0:
.L_simem_size_0:
called_computation.1_lowered:
.L_overlay_start_0:
0x88: {  	s2 =	sld [smem:$0x3FD9]  }
0x89: {  	s3 =	sld [smem:$0x3FFE];
	_ =	sdelay $0x1  }
0x8a: {  	s1 =	srdreg.scid  }
0x8b: {  	s0 =	sand.u32 $0x1, s1  }
0x8c: {  	s16 =	sshll.u32 s0, $0xA;
	s2 =	sadd.s32 s3, s2  }
0x8d: {  	s2 =	sadd.s32 s2, s16  }
0x8e: {  	[smem:$0x3FC1] =	sst s2  }
0x8f: {  	_ = 	snop  }
0x90: {  	(tm) =	ssettm $0x1  }
0x91: {  	s17 =	sld [smem:$0x3FFB];
	_ =	sdelay $0x3  }
0x92: {  	_ =	strace s17  }
0x93: {  	s2 =	sld [smem:$0x3FFC];
	_ =	sdelay $0x3  }
0x94: {  	_ =	strace s2  }
0x95: {  	s2 =	sld [smem:$0x3FFD];
	_ =	sdelay $0x3  }
0x96: {  	_ =	strace s2  }
0x97: {  	_ =	strace $0x8FFFFFFF  }
0x98: {  	s18 =	sld [smem:$0x3FDB];
	_ =	sdelay $0x1  }
0x99: {  	s19 =	simm.s32 $_scs_section_size  }
0x9a: {  	s4 =	simm.s32 $_size__tile_overlayer_lowered;
	s5 =	simm.s32 $_tile_overlayer_lowered  }
0x9b: {  	s22 =	simm.s32 $0x1BFF;
	s21 =	sshll.u32 s5, $0x1;
	s2 =	sadd.s32 s19, s18  }
0x9c: {  	s6 =	simm.s32 $0x0;
	s20 =	sshll.u32 s4, $0x1;
	s4 =	sadd.s32 s21, s2  }
0x9d: {  	[timem:s6], [sflag:s22] =	dma.local [hbm:s4], s20  }
0x9e: {  	_ =	swait.ge [sflag:s22], s20  }
0x9f: {  	s3 =	ssub.s32 $0x0, s20;
	[sflag:s22] =	ssyncset.done $0x0  }
0xa0: {  	[sflag:s22] =	ssyncadd.s32 s3;
	_ =	sdelay $0x1  }
0xa1: {  	s23 =	simm.s32 $0x1B8B  }
0xa2: {  	_ =	swait.ge [sflag:s23], $0x1  }
0xa3: {  	[sflag:s23] =	ssyncset.done $0x0  }
0xa4: {  	s25 =	simm.s32 $0x1B8E;
	s24 =	sld [smem:$0x3FFE];
	[sflag:s23] =	ssyncadd.s32 $0xFFFFFFFF  }
0xa5: {  	s26 =	simm.s32 $execute0_lowered;
	[smem:$0x3FD2] =	sst s25  }
0xa6: {  	s4 =	sshll.u32 s26, $0x1;
	_ =	strace $0x80000049;
	[dreg:$0x1] =	wrdreg $0xFFFFFFFF  }
0xa7: {  	s28 =	simm.s32 $_size_execute0_lowered;
	s2 =	sadd.s32 s2, s4;
	[dreg:$0x0] =	wrdreg $0x0  }
0xa8: {  	s4 =	sshll.u32 s28, $0x1;
	[dreg:$0x2] =	wrdreg s2  }
0xa9: {  	[dreg:$0x3] =	wrdreg s4  }
0xaa: {  	[dreg:$0x4] =	wrdreg $0xC0  }
0xab: {  	_ =	task [dreg:s6], $0x5FFFF  }
0xac: {  	[dreg:$0x1] =	wrdreg $0xFFFFFFFF  }
0xad: {  	[dreg:$0x0] =	wrdreg $0x60  }
0xae: {  	[dreg:$0x2] =	wrdreg s24  }
0xaf: {  	[dreg:$0x3] =	wrdreg $0x35000  }
0xb0: {  	[dreg:$0x4] =	wrdreg $0x9  }
0xb1: {  	_ =	task.clear_ibuf [dreg:s6], $0x5FFFF;
	_ =	strace $0x90000049  }
0xb2: {  	s29 =	simm.s32 $0x9;
	_ =	strace $0x8000004B  }
0xb3: {  	_ =	swait.ge [sflag:s29], $0x1  }
0xb4: {  	[sflag:s29] =	ssyncadd.s32 $0xFFFFFFFF  }
0xb5: {  	_ =	strace $0x9000004B  }
0xb6: {  	_ =	sfence  }
0xb7: {  	s30 =	sld [smem:$0x0];
	_ =	sdelay $0x2  }
0xb8: {  	s31 =	sshll.u32 s1, $0xD;
	s1 =	sshrl.u32 s1, $0x2  }
0xb9: {  	s3 =	sand.u32 $0x4000, s31;
	s1 =	sadd.s32 s1, s30  }
0xba: {  	s0 =	sor.u32 s3, s0;
	s1 =	sshll.u32 s1, $0x11  }
0xbb: {  	s0 =	sor.u32 s1, s0  }
0xbc: {  	s0 =	sadd.s32 $0x8F2B, s0  }
0xbd: {  	[sflag:s0] =	ssyncadd.remote.s32 $0x1  }
0xbe: {  	_ =	sfence.sel $0xFFFF  }
0xbf: {  	[dreg:$0x0] =	wrdreg $0xFFFFFFFF;
	(pc) =	sbr.abs _section_cstart, $3  }
0xc0: {  	[dreg:$0x1] =	wrdreg $0xFFFFFFFF  }
0xc1: {  	_ =	task.clear_ibuf [dreg:s6], $0x2FFFF;
	_ =	strace $0x9FFFFFFF  }
0xc2: {  	(tm) =	ssettm $0x7FFFFFFF  }
0xc3: {  	_ =	shalt  }
tec
execute0_lowered:
.L_overlay_start_1:
0x0: {  	(tag) =	ssettag $0x1  }
0x1: {  	s0 =	srdreg.scid;
	s1 =	rddreg [dreg:$0x0]  }
0x2: {  	s9 =	stileid.u32;
	s2 =	rddreg [dreg:$0x1]  }
0x3: {  	s3 =	simm.s32 $0x0;
	s12 =	simm.s32 $0x80;
	s13 =	simm.s32 $0x3100  }
0x4: {  	s14 =	simm.s32 $0x1;
	s4 =	sand.u32 $0x1, s0;
	s0 =	rddreg [dreg:$0x2]  }
0x5: {  	s15 =	simm.s32 $0x0;
	s30 =	sshll.u32 s9, $0x1;
	[smem:$0x7FF] =	sst s3  }
0x6: {  	p0 =	sne.s32 s9, $0x0;
	s5 =	sor.u32 s4, s30;
	s6 =	smul.u32 $0x2718, s4  }
0x7: {  	s9 =	simm.s32 $0x2;
	s7 =	ssub.s32 $0x2, s4;
	s5 =	smul.u32 $0x310, s5  }
0x8: {  	_ =	strace $0x8000004A;
	s4 =	sadd.s32 $0x25200, s1;
	s31 =	sshrl.u32 s7, $0x1  }
0x9: {  	s10 =	sadd.s32 s6, s1;
	s11 =	ssub.s32 s7, s31;
	s8 =	sadd.s32 s5, s1  }
0xa: {  	s7 =	sadd.s32 $0x27A00, s10;
	s10 =	simm.s32 $0x1880;
	s5 =	sadd.s32 $0x1F000, s8  }
0xb: {  	s6 =	sadd.s32 $0x18800, s8;
	s8 =	smax.u32 s11, $0x1;
	s11 =	sshrl.u32 @!p0 s2, $0x3  }
.LBB2_1:
0xc: {  	[tilespmem:s3], [sflag:$0x2] =	stream.linear.gather [hbm4b:s5+s3], $0x1880, $0x38;
	[tilespmem:$0x4890] =	vst v63  }
0xd: {  	_ =	swait.ge [sflag:s9], $0x1880  }
0xe: {  	[sflag:s9] =	ssyncset.done $0x0  }
0xf: {  	[sflag:s9] =	ssyncadd.s32 $0xFFFFE780  }
0x10: {  	[tilespmem:s10], [sflag:$0x2] =	stream.linear.gather [hbm4b:s6+s3], $0x1880, $0x38;
	[tilespmem:$0x4890] =	vst v63  }
0x11: {  	_ =	swait.ge [sflag:s9], $0x1880  }
0x12: {  	[sflag:s9] =	ssyncset.done $0x0  }
0x13: {  	s16 =	simm.s32 @!p0 $0x1C02;
	[sflag:s9] =	ssyncadd.s32 $0xFFFFE780  }
0x14: {  	[spmem:s11], [sflag:s16] =	dma.local @!p0 [hbm:s4], $0x2718  }
0x15: {  	s16 =	simm.s32 @!p0 $0x2  }
0x16: {  	_ =	swait.ge @!p0 [sflag:s16], $0x2718  }
0x17: {  	[sflag:s16] =	ssyncset.done @!p0 $0x0  }
0x18: {  	[sflag:s16] =	ssyncadd.s32 @!p0 $0xFFFFD8E8  }
0x19: {  	s30 =	simm.s32 $0x0;
	[bflag:$0x0] =	sbarrier.arrive $0xFFFF  }
0x1a: {  	[tilespmem:s13], [sflag:$0x1] =	stream.indirect.gather [hbm4b:s1+s12], $0x8, s30, s12, $0xb8;
	[tilespmem:$0x4890] =	vst v63  }
0x1b: {  	_ =	swait.ge [sflag:s14], $0x400  }
0x1c: {  	[sflag:s14] =	ssyncset.done $0x0  }
0x1d: {  	s31 =	simm.s32 $0x1880;
	[sflag:s14] =	ssyncadd.s32 $0xFFFFFC00  }
0x1e: {  	[spmem:s2] =	stream.indirect.scatter.add.f32 [tilespmem:s13], [sflag:$0x2], $0x8, s31, s12, $0xb8;
	[tilespmem:$0x4890] =	vst v63  }
0x1f: {  	_ =	swait.ge [sflag:s9], $0x400  }
0x20: {  	s17 =	simm.s32 $0x400;
	s16 =	simm.s32 $0x200;
	[sflag:s9] =	ssyncset.done $0x0  }
.LBB2_2:
0x21: {  	s18 =	sshra.s32 s16, $0x2  }
0x22: {  	[sflag:s9] =	ssyncadd.s32 $0xFFFFFC00;
	s16 =	smov.u32 s17;
	s19 =	sadd.s32 $0x200, s17  }
0x23: {  	[tilespmem:s13], [sflag:$0x1] =	stream.indirect.gather [hbm4b:s1+s12], $0x8, s18, s12, $0xb8;
	[tilespmem:$0x4890] =	vst v63  }
0x24: {  	p1 =	sne.s32 s17, $0x6000;
	_ =	swait.ge [sflag:s14], $0x400  }
.Ltmp0:
0x25: {  	[sflag:s14] =	ssyncset.done $0x0;
	(pc) =	sbr.rel @p1 .LBB2_2-.Ltmp0, $4  }
0x26: {  	s17 =	sadd.s32 $0x1880, s18;
	[sflag:s14] =	ssyncadd.s32 $0xFFFFFC00  }
0x27: {  	[spmem:s2] =	stream.indirect.scatter.add.f32 [tilespmem:s13], [sflag:$0x2], $0x8, s17, s12, $0xb8;
	[tilespmem:$0x4890] =	vst v63  }
0x28: {  	_ =	swait.ge [sflag:s9], $0x400  }
0x29: {  	s17 =	smov.u32 s19;
	[sflag:s9] =	ssyncset.done $0x0  }
0x2a: {  	s16 =	sshra.s32 s16, $0x2;
	[sflag:s9] =	ssyncadd.s32 $0xFFFFFC00  }
0x2b: {  	[tilespmem:s13], [sflag:$0x1] =	stream.indirect.gather [hbm4b:s1+s12], $0x8, s16, s12, $0xb8;
	[tilespmem:$0x4890] =	vst v63  }
0x2c: {  	_ =	swait.ge [sflag:s14], $0x400  }
0x2d: {  	[sflag:s14] =	ssyncset.done $0x0  }
0x2e: {  	s16 =	sadd.s32 $0x1880, s16;
	[sflag:s14] =	ssyncadd.s32 $0xFFFFFC00  }
0x2f: {  	[spmem:s2] =	stream.indirect.scatter.add.f32 [tilespmem:s13], [sflag:$0x2], $0x8, s16, s12, $0xb8;
	[tilespmem:$0x4890] =	vst v63  }
0x30: {  	_ =	swait.ge [sflag:s9], $0x400  }
0x31: {  	[sflag:s9] =	ssyncset.done $0x0  }
0x32: {  	s15 =	sadd.s32 $0x1, s15;
	[sflag:s9] =	ssyncadd.s32 $0xFFFFFC00  }
0x33: {  	p1 =	sne.s32 s15, s8;
	s16 =	simm.s32 @!p0 $0x1C02;
	[bflag:$0x0] =	sbarrier.arrive $0xFFFF  }
0x34: {  	[hbm:s7], [sflag:s16] =	dma.local @!p0 [spmem:s11], $0x2718  }
.Ltmp1:
0x35: {  	_ = 	snop;
	(pc) =	sbr.rel @p1 .LBB2_1-.Ltmp1, $4  }
0x36: {  	s16 =	simm.s32 @!p0 $0x2  }
0x37: {  	_ =	swait.ge @!p0 [sflag:s16], $0x2718  }
0x38: {  	[sflag:s16] =	ssyncset.done @!p0 $0x0  }
0x39: {  	[sflag:s16] =	ssyncadd.s32 @!p0 $0xFFFFD8E8  }
0x3a: {  	_ =	sfence.sel $0x180000  }
0x3b: {  	[bflag:$0x0] =	sbarrier.arrive $0xFFFF  }
0x3c: {  	_ =	strace $0x9000004A  }
0x3d: {  	s0 =	sadd.s32 @!p0 $0x100000, s0;
	[bflag:$0x2] =	sbarrier.arrive $0xFFFF  }
0x3e: {  	[sflag:s0] =	ssyncadd.tile.s32 @!p0 $0x1;
	_ =	shalt  }
.Lfunc_end2:
_tile_overlayer_lowered:
.L_overlay_start_2:
0x3f: {  	(tag) =	ssettag $0x2  }
0x40: {  	s0 =	rddreg [dreg:$0x0];
	s2 =	stileid.u32  }
0x41: {  	s1 =	rddreg [dreg:$0x1];
	p0 =	sne.s32 s2, $0x0  }
0x42: {  	s3 =	rddreg [dreg:$0x2];
	[bflag:$0x3] =	sbarrier.arrive $0xFFFF;
	s2 =	simm.s32 @!p0 $0x1C02  }
0x43: {  	[timem:s3], [sflag:s2] =	dma.local @!p0 [hbm:s0], s1  }
0x44: {  	s0 =	simm.s32 @!p0 $0x2  }
0x45: {  	_ =	swait.ge @!p0 [sflag:s0], s1  }
0x46: {  	s1 =	ssub.s32 @!p0 $0x0, s1;
	[sflag:s0] =	ssyncset.done @!p0 $0x0  }
0x47: {  	[sflag:s0] =	ssyncadd.s32 @!p0 s1  }
0x48: {  	[bflag:$0x3] =	sbarrier.arrive $0xFFFF  }
0x49: {  	_ =	shalt  }

// kernel: scatter_offload_async_start
scs
__scs_entry_jumppad:
0x0: {  	(pc) =	sbr.rel $0x88, $3  }
0x1: {  	(tag) =	ssettag $0x0;
	lr =	simm.s32 $0x1  }
0x2: {  	[smem:$0x3F9A] =	sst lr;
	_ =	strace $0xD0000000  }
0x3: {  	_ = 	snop  }
0x4: {  	_ = 	snop  }
0x5: {  	_ = 	snop  }
0x6: {  	_ = 	snop  }
0x7: {  	_ = 	snop  }
__scs_overlays_trampoline_lowered:
0x8: {  	[smem:$0x3FA9] =	sst s0  }
0x9: {  	[smem:$0x3FAA] =	sst s1  }
0xa: {  	[smem:$0x3FAB] =	sst s2  }
0xb: {  	[smem:$0x3FAC] =	sst s3  }
0xc: {  	[smem:$0x3FAD] =	sst s4  }
0xd: {  	[smem:$0x3FAE] =	sst s5  }
0xe: {  	[smem:$0x3FAF] =	sst s6  }
0xf: {  	[smem:$0x3FB0] =	sst s7  }
0x10: {  	[smem:$0x3FB1] =	sst s8  }
0x11: {  	[smem:$0x3FB2] =	sst s9;
	s0 =	simm.s32 @!p0 $0x0  }
0x12: {  	s1 =	sld [smem:$0x3F98];
	s0 =	simm.s32 @p0 $0x1  }
0x13: {  	[smem:$0x3FB3] =	sst s0;
	s0 =	simm.s32 @!p1 $0x0  }
0x14: {  	s2 =	sld [smem:$0x3F97];
	s0 =	simm.s32 @p1 $0x1  }
0x15: {  	[smem:$0x3FB4] =	sst s0;
	s0 =	simm.s32 @!p2 $0x0  }
0x16: {  	s3 =	sld [smem:$0x3FDB];
	s0 =	simm.s32 @p2 $0x1  }
0x17: {  	s4 =	simm.s32 $0x1BF5;
	[smem:$0x3FB6] =	sst s0  }
0x18: {  	s0 =	sld [smem:$0x3F99];
	_ =	swait.ge [sflag:s4], $0x0  }
0x19: {  	s7 =	sld [smem:$0x3F9A]  }
0x1a: {  	s8 =	sadd.s32 $0xFFFFE003, lr  }
0x1b: {  	s9 =	sadd.s32 $0xFFFFFEF7, lr;
	s5 =	simm.s32 $0xFFFFFFFF;
	p2 =	slt.u32 s8, $0xFFFFF086  }
0x1c: {  	p1 =	slt.u32 s9, $0xF7A;
	s5 =	simm.s32 @!p2 $0x0  }
0x1d: {  	s5 =	simm.s32 @p1 $0x1;
	p0 =	seq.s32 s7, s2  }
0x1e: {  	s7 =	smul.u32 @!p0 $0xF7A, s2;
	p2 =	seq.s32 @!p0 s5, $0x0  }
0x1f: {  	s9 =	smul.u32 $0xF7A, s1;
	s8 =	simm.s32 @!p0 $0x1BF5;
	p2 =	por !p2, p0  }
0x20: {  	[sflag:s8] =	ssyncset.s32 @!p0 $0xFFFFF086;
	s6 =	sadd.s32 @!p0 s3, s7;
	s7 =	simm.s32 @!p0 $0x108  }
0x21: {  	s3 =	sadd.s32 s3, s9;
	s6 =	sadd.s32 @!p0 $0x88, s6;
	s7 =	simm.s32 @p2 $0x1082  }
0x22: {  	[simem:s7], [sflag:s8] =	dma.local @!p0 [hbm:s6], $0xF7A  }
0x23: {  	s9 =	sor.u32 $0xD0000000, s2;
	s6 =	simm.s32 $0x108;
	_ =	swait.ge @!p0 [sflag:s8], $0x0  }
0x24: {  	s3 =	sadd.s32 $0x88, s3;
	s6 =	simm.s32 @!p1 $0x1082;
	[sflag:s4] =	ssyncset.s32 $0xFFFFF086  }
0x25: {  	[simem:s6], [sflag:s4] =	dma.local [hbm:s3], $0xF7A  }
0x26: {  	[smem:$0x3F9A] =	sst s1;
	(tag) =	ssettag s2;
	_ =	strace s9  }
0x27: {  	s1 =	sld [smem:$0x3FAA]  }
0x28: {  	s2 =	sld [smem:$0x3FAB]  }
0x29: {  	s4 =	sld [smem:$0x3FAD]  }
0x2a: {  	p0 =	seq.s32 s5, $0x0;
	s5 =	sld [smem:$0x3FAE]  }
0x2b: {  	s6 =	sld [smem:$0x3FAF]  }
0x2c: {  	s7 =	sld [smem:$0x3FB0]  }
0x2d: {  	s3 =	simm.s32 $0x108;
	s8 =	sld [smem:$0x3FB1]  }
0x2e: {  	s3 =	simm.s32 @!p0 $0x1082;
	s9 =	sld [smem:$0x3FB2]  }
0x2f: {  	lr =	sadd.s32 s0, s3;
	s0 =	sld [smem:$0x3FA9]  }
0x30: {  	s3 =	sld [smem:$0x3FAC]  }
0x31: {  	[smem:$0x3FB5] =	sst s10  }
0x32: {  	s10 =	sld [smem:$0x3FB3];
	_ =	sdelay $0x3  }
0x33: {  	p0 =	seq.s32 s10, $0x1;
	s10 =	sld [smem:$0x3FB5];
	_ =	sdelay $0x3  }
0x34: {  	[smem:$0x3FB5] =	sst s10  }
0x35: {  	s10 =	sld [smem:$0x3FB4];
	_ =	sdelay $0x3  }
0x36: {  	p1 =	seq.s32 s10, $0x1;
	s10 =	sld [smem:$0x3FB5];
	_ =	sdelay $0x3  }
0x37: {  	[smem:$0x3FB5] =	sst s10  }
0x38: {  	s10 =	sld [smem:$0x3FB6]  }
0x39: {  	_ = 	snop;
	(pc) =	sbr.ind lr, $3  }
0x3a: {  	_ = 	snop  }
0x3b: {  	_ = 	snop  }
0x3c: {  	p2 =	seq.s32 s10, $0x1;
	s10 =	sld [smem:$0x3FB5]  }
0x3d: {  	_ =	shalt  }
0x3e: {  	_ =	shalt  }
0x3f: {  	_ =	shalt  }
0x40: {  	_ =	shalt  }
0x41: {  	_ =	shalt  }
0x42: {  	_ =	shalt  }
0x43: {  	_ =	shalt  }
0x44: {  	_ =	shalt  }
0x45: {  	_ =	shalt  }
0x46: {  	_ =	shalt  }
0x47: {  	_ =	shalt  }
0x48: {  	_ =	shalt  }
0x49: {  	_ =	shalt  }
0x4a: {  	_ =	shalt  }
0x4b: {  	_ =	shalt  }
0x4c: {  	_ =	shalt  }
0x4d: {  	_ =	shalt  }
0x4e: {  	_ =	shalt  }
0x4f: {  	_ =	shalt  }
0x50: {  	_ =	shalt  }
0x51: {  	_ =	shalt  }
0x52: {  	_ =	shalt  }
0x53: {  	_ =	shalt  }
0x54: {  	_ =	shalt  }
0x55: {  	_ =	shalt  }
0x56: {  	_ =	shalt  }
0x57: {  	_ =	shalt  }
0x58: {  	_ =	shalt  }
0x59: {  	_ =	shalt  }
0x5a: {  	_ =	shalt  }
0x5b: {  	_ =	shalt  }
0x5c: {  	_ =	shalt  }
0x5d: {  	_ =	shalt  }
0x5e: {  	_ =	shalt  }
0x5f: {  	_ =	shalt  }
0x60: {  	_ =	shalt  }
0x61: {  	_ =	shalt  }
0x62: {  	_ =	shalt  }
0x63: {  	_ =	shalt  }
0x64: {  	_ =	shalt  }
0x65: {  	_ =	shalt  }
0x66: {  	_ =	shalt  }
0x67: {  	_ =	shalt  }
0x68: {  	_ =	shalt  }
0x69: {  	_ =	shalt  }
0x6a: {  	_ =	shalt  }
0x6b: {  	_ =	shalt  }
0x6c: {  	_ =	shalt  }
0x6d: {  	_ =	shalt  }
0x6e: {  	_ =	shalt  }
0x6f: {  	_ =	shalt  }
0x70: {  	_ =	shalt  }
0x71: {  	_ =	shalt  }
0x72: {  	_ =	shalt  }
0x73: {  	_ =	shalt  }
0x74: {  	_ =	shalt  }
0x75: {  	_ =	shalt  }
0x76: {  	_ =	shalt  }
0x77: {  	_ =	shalt  }
0x78: {  	_ =	shalt  }
0x79: {  	_ =	shalt  }
0x7a: {  	_ =	shalt  }
0x7b: {  	_ =	shalt  }
0x7c: {  	_ =	shalt  }
0x7d: {  	_ =	shalt  }
0x7e: {  	_ =	shalt  }
0x7f: {  	_ =	shalt  }
0x80: {  	_ =	shalt  }
0x81: {  	_ =	shalt  }
0x82: {  	_ =	shalt  }
0x83: {  	_ =	shalt  }
0x84: {  	_ =	shalt  }
0x85: {  	_ =	shalt  }
0x86: {  	_ =	shalt  }
0x87: {  	_ =	shalt  }
.Lfunc_end0:
.L_simem_size_0:
called_computation_lowered:
.L_overlay_start_0:
0x88: {  	s0 =	sld [smem:$0x3FD9]  }
0x89: {  	s1 =	sld [smem:$0x3FFE];
	_ =	sdelay $0x3  }
0x8a: {  	s0 =	sadd.s32 s1, s0  }
0x8b: {  	[smem:$0x3FC1] =	sst s0  }
0x8c: {  	_ = 	snop  }
0x8d: {  	s0 =	sld [smem:$0x3FD0];
	(tm) =	ssettm $0x1  }
0x8e: {  	s16 =	sld [smem:$0x3FFB];
	_ =	sdelay $0x3  }
0x8f: {  	_ =	strace s16  }
0x90: {  	s1 =	sld [smem:$0x3FFC];
	_ =	sdelay $0x3  }
0x91: {  	_ =	strace s1  }
0x92: {  	s1 =	sld [smem:$0x3FFD];
	_ =	sdelay $0x3  }
0x93: {  	_ =	strace s1  }
0x94: {  	_ =	strace $0x8FFFFFFF  }
0x95: {  	s17 =	sld [smem:$0x3FDB];
	_ =	sdelay $0x1  }
0x96: {  	s2 =	simm.s32 $_scs_section_size  }
0x97: {  	s3 =	simm.s32 $_size__tile_overlayer_lowered;
	s4 =	simm.s32 $_tile_overlayer_lowered  }
0x98: {  	s20 =	simm.s32 $0x1BFF;
	s19 =	sshll.u32 s4, $0x1;
	s1 =	sadd.s32 s2, s17  }
0x99: {  	s5 =	simm.s32 $0x0;
	s18 =	sshll.u32 s3, $0x1;
	s3 =	sadd.s32 s19, s1  }
0x9a: {  	[timem:s5], [sflag:s20] =	dma.local [hbm:s3], s18  }
0x9b: {  	_ =	swait.ge [sflag:s20], s18  }
0x9c: {  	s2 =	ssub.s32 $0x0, s18;
	[sflag:s20] =	ssyncset.done $0x0  }
0x9d: {  	[sflag:s20] =	ssyncadd.s32 s2;
	_ =	sdelay $0x1  }
0x9e: {  	s21 =	simm.s32 $0x1B8B  }
0x9f: {  	_ =	swait.ge [sflag:s21], $0x1  }
0xa0: {  	[sflag:s21] =	ssyncset.done $0x0  }
0xa1: {  	s23 =	simm.s32 $0x1B8E;
	s22 =	sld [smem:$0x3FFE];
	[sflag:s21] =	ssyncadd.s32 $0xFFFFFFFF  }
0xa2: {  	s24 =	simm.s32 $execute0_lowered;
	[smem:$0x3FD2] =	sst s23  }
0xa3: {  	s3 =	sshll.u32 s24, $0x1;
	_ =	strace $0x80000046;
	[dreg:$0x1] =	wrdreg $0xFFFFFFFF  }
0xa4: {  	s25 =	simm.s32 $_size_execute0_lowered;
	s1 =	sadd.s32 s1, s3;
	[dreg:$0x0] =	wrdreg $0x0  }
0xa5: {  	s3 =	sshll.u32 s25, $0x1;
	[dreg:$0x2] =	wrdreg s1  }
0xa6: {  	[dreg:$0x3] =	wrdreg s3  }
0xa7: {  	[dreg:$0x4] =	wrdreg $0xC0  }
0xa8: {  	_ =	task [dreg:s5], $0x5FFFF  }
0xa9: {  	[dreg:$0x1] =	wrdreg $0xFFFFFFFF  }
0xaa: {  	[dreg:$0x0] =	wrdreg $0x60  }
0xab: {  	[dreg:$0x2] =	wrdreg s22  }
0xac: {  	[dreg:$0x3] =	wrdreg s0  }
0xad: {  	[dreg:$0x4] =	wrdreg $0x9  }
0xae: {  	_ =	task.clear_ibuf [dreg:s5], $0x5FFFF;
	_ =	strace $0x90000046  }
0xaf: {  	s26 =	simm.s32 $0x9;
	_ =	strace $0x80000048  }
0xb0: {  	_ =	swait.ge [sflag:s26], $0x1  }
0xb1: {  	[sflag:s26] =	ssyncadd.s32 $0xFFFFFFFF  }
0xb2: {  	_ =	strace $0x90000048  }
0xb3: {  	_ =	sfence  }
0xb4: {  	s28 =	sld [smem:$0x0];
	_ =	sdelay $0x1  }
0xb5: {  	s29 =	srdreg.scid  }
0xb6: {  	s30 =	sshll.u32 s29, $0xD;
	s31 =	sshrl.u32 s29, $0x2  }
0xb7: {  	s2 =	sand.u32 $0x4000, s30;
	s1 =	sand.u32 $0x1, s29;
	s0 =	sadd.s32 s31, s28  }
0xb8: {  	s1 =	sor.u32 s2, s1;
	s0 =	sshll.u32 s0, $0x11  }
0xb9: {  	s0 =	sor.u32 s0, s1  }
0xba: {  	s0 =	sadd.s32 $0x8F2B, s0  }
0xbb: {  	[sflag:s0] =	ssyncadd.remote.s32 $0x1  }
0xbc: {  	_ =	sfence.sel $0xFFFF  }
0xbd: {  	[dreg:$0x0] =	wrdreg $0xFFFFFFFF;
	(pc) =	sbr.abs _section_cstart, $3  }
0xbe: {  	[dreg:$0x1] =	wrdreg $0xFFFFFFFF  }
0xbf: {  	_ =	task.clear_ibuf [dreg:s5], $0x2FFFF;
	_ =	strace $0x9FFFFFFF  }
0xc0: {  	(tm) =	ssettm $0x7FFFFFFF  }
0xc1: {  	_ =	shalt  }
tec
execute0_lowered:
.L_overlay_start_1:
0x0: {  	(tag) =	ssettag $0x1  }
0x1: {  	s7 =	rddreg [dreg:$0x0]  }
0x2: {  	s2 =	rddreg [dreg:$0x1]  }
0x3: {  	s0 =	rddreg [dreg:$0x2]  }
0x4: {  	_ =	strace $0x80000047;
	s4 =	stileid.u32;
	s5 =	simm.s32 $0x3E  }
0x5: {  	s1 =	sadd.s32 $0x18800, s7;
	p0 =	sne.s32 s4, $0x0;
	[sflag:s5] =	ssyncpa.u1 $0x0  }
0x6: {  	s30 =	smin.u32 s4, $0x9;
	s3 =	simm.s32 @!p0 $0x1C3E;
	s6 =	simm.s32 @!p0 $0x0  }
0x7: {  	[spmem:s6], [sflag:s3] =	dma.local @!p0 [hbm:s1], $0x6200  }
0x8: {  	s3 =	sadd.s32 s4, s30  }
0x9: {  	p1 =	slt.u32 s4, $0x9;
	s4 =	simm.s32 $0x320;
	s3 =	smul.u32 $0x190, s3  }
0xa: {  	s4 =	simm.s32 @!p1 $0x190  }
0xb: {  	s4 =	sadd.s32 s4, s3  }
0xc: {  	s4 =	smin.u32 s4, $0x2710  }
0xd: {  	s8 =	ssub.s32 s4, s3  }
0xe: {  	p1 =	sgt.s32 s8, $0x0  }
0xf: {  	s8 =	simm.s32 @!p1 $0x0  }
0x10: {  	s9 =	sand.u32 $0xFFF0, s8  }
0x11: {  	s9 =	sshrl.u32 s9, $0x4  }
0x12: {  	s6 =	simm.s32 @!p0 $0x3E;
	s31 =	smul.u32 $0xA3E, s9  }
0x13: {  	_ =	swait.ge @!p0 [sflag:s6], $0x6200  }
0x14: {  	[sflag:s6] =	ssyncset.done @!p0 $0x0;
	s9 =	sshrl.u32 s31, $0x10  }
0x15: {  	s11 =	simm.s32 $0x0;
	[sflag:s6] =	ssyncadd.s32 @!p0 $0xFFFF9E00;
	s10 =	smul.u32 $0x190, s9  }
.Ltmp0:
0x16: {  	s7 =	sadd.s32 $0x1EA00, s7;
	[bflag:$0x0] =	sbarrier.arrive $0xFFFF;
	(pc) =	sbr.rel .LBB2_1-.Ltmp0, $4  }
0x17: {  	s6 =	simm.s32 $0x2;
	[sflag:s5] =	ssyncpa.u1 $0x1;
	s5 =	simm.s32 $0x1  }
0x18: {  	[sflag:s5] =	ssyncpa.u1 $0x0;
	p1 =	sne.s32 s8, s10;
	s8 =	simm.s32 $0x1  }
0x19: {  	(ifvalue) =	ssetifvalue $0x31000;
	[sflag:s6] =	ssyncpa.u1 $0x0;
	s8 =	simm.s32 @!p1 $0x0  }
0x1a: {  	vm0 =	vmmov $0xffff;
	s10 =	smov.u32 s3;
	s8 =	sadd.s32 s9, s8;
	s9 =	simm.s32 $0x0  }
.LBB2_5:
0x1b: {  	p2 =	sne.s32 s11, s8  }
.Ltmp1:
0x1c: {  	_ = 	snop;
	(pc) =	sbr.rel @!p2 .LBB2_6-.Ltmp1, $4  }
0x1d: {  	_ = 	snop  }
0x1e: {  	s12 =	sadd.s32 $0x190, s10  }
0x1f: {  	s10 =	smov.u32 s3;
	s13 =	sadd.s32 $0x1, s11;
	p1 =	slt.s32 s12, s4  }
0x20: {  	s11 =	smov.u32 s13;
	s10 =	smov.u32 @p1 s12  }
.LBB2_1:
0x21: {  	p1 =	sge.u32 s11, s8  }
0x22: {  	s12 =	sxor.u32 @!p1 $0xFFFFFFFF, s11  }
0x23: {  	s12 =	sand.u32 @!p1 $0x1, s12  }
0x24: {  	s12 =	smul.u32 @!p1 $0x190, s12  }
0x25: {  	s13 =	sshrl.u32 @!p1 s10, $0x3  }
0x26: {  	s16 =	sand.u32 @!p1 $0x7, s10;
	s14 =	sadd.s32 @!p1 s2, s13;
	s15 =	sadd.s32 @!p1 $0x3100, s12  }
0x27: {  	[tilespmem:s15], [sflag:$0x2] =	stream.linear.gather @!p1 [hbm4b:s14+s16], $0x190, $0x38;
	[tilespmem:$0x3740] =	vst v63  }
0x28: {  	s13 =	sadd.s32 @!p1 s7, s13;
	s12 =	sadd.s32 @!p1 $0x3420, s12  }
0x29: {  	[tilespmem:s12], [sflag:$0x2] =	stream.linear.gather @!p1 [hbm4b:s13+s16], $0x190, $0x38;
	[tilespmem:$0x3740] =	vst v63  }
0x2a: {  	p1 =	seq.s32 s11, $0x0  }
.Ltmp2:
0x2b: {  	_ = 	snop;
	(pc) =	sbr.rel @p1 .LBB2_5-.Ltmp2, $1  }
0x2c: {  	_ =	sdelay $0x3  }
0x2d: {  	s12 =	sand.u32 $0x1, s11  }
0x2e: {  	_ =	swait.ge [sflag:s6], $0x320;
	p1 =	seq.s32 s12, $0x1;
	s12 =	simm.s32 $0x190  }
0x2f: {  	[sflag:s6] =	ssyncset.done $0x0;
	s12 =	simm.s32 @!p1 $0x0  }
0x30: {  	[sflag:s6] =	ssyncadd.s32 $0xFFFFFCE0;
	s14 =	sadd.s32 $0x3100, s12  }
0x31: {  	v0 =	vld.msk [tilespmem:s14+$0x0 ss:$0x1], $0xffff;
	_ =	sdelay $0x4  }
0x32: {  	v0 =	vmin.u32 v0, $0x31000;
	_ =	sdelay $0x3  }
0x33: {  	s13 =	simm.s32 $0x0;
	s12 =	sor.u32 $0x3420, s12;
	s14 =	sadd.s32 $0x10, s14  }
0x34: {  	[spmem:s9] =	stream.indirect_vreg.scatter.add.s32 [tilespmem:s12], [sflag:$0x1], $0x1, v0, vm0, $0x4038;
	[tilespmem:$0x3740] =	vst v63  }
.LBB2_3:
0x35: {  	v0 =	vld.msk [tilespmem:s14+$0x0 ss:$0x1], $0xffff;
	s13 =	sadd.s32 $0x10, s13  }
0x36: {  	p1 =	slt.u32 s13, $0x180;
	_ =	sdelay $0x4  }
0x37: {  	v0 =	vmin.u32 v0, $0x31000  }
.Ltmp3:
0x38: {  	(pc) =	sbr.rel @p1 .LBB2_3-.Ltmp3, $3  }
0x39: {  	_ =	sdelay $0x1  }
0x3a: {  	s14 =	sadd.s32 $0x10, s14;
	s12 =	sadd.s32 $0x10, s12  }
0x3b: {  	[spmem:s9] =	stream.indirect_vreg.scatter.add.s32 [tilespmem:s12], [sflag:$0x1], $0x1, v0, vm0, $0x4038;
	[tilespmem:$0x3740] =	vst v63  }
.Ltmp4:
0x3c: {  	(pc) =	sbr.rel .LBB2_5-.Ltmp4, $4  }
0x3d: {  	_ = 	snop  }
0x3e: {  	_ =	swait.ge [sflag:s5], $0x190  }
0x3f: {  	[sflag:s5] =	ssyncset.done $0x0  }
0x40: {  	[sflag:s5] =	ssyncadd.s32 $0xFFFFFE70  }
.LBB2_6:
0x41: {  	_ =	sfence.sel $0x180000  }
0x42: {  	s2 =	simm.s32 $0x2;
	[bflag:$0x0] =	sbarrier.arrive $0xFFFF  }
0x43: {  	s30 =	simm.s32 $0x1;
	[sflag:s2] =	ssyncpa.u1 $0x1  }
0x44: {  	[sflag:s30] =	ssyncpa.u1 $0x1  }
0x45: {  	_ =	sfence.stream.spmem  }
0x46: {  	s31 =	simm.s32 $0x3D;
	[bflag:$0x0] =	sbarrier.arrive $0xFFFF  }
0x47: {  	s2 =	simm.s32 @p0 $0x3D;
	[sflag:s31] =	ssyncpa.u1 $0x0  }
0x48: {  	[sflag:s2] =	ssyncpa.u1 @p0 $0x1  }
0x49: {  	[bflag:$0x0] =	sbarrier.arrive @p0 $0xFFFF  }
0x4a: {  	_ =	strace @p0 $0x90000047  }
0x4b: {  	s3 =	simm.s32 @!p0 $0x1C3D;
	s2 =	simm.s32 @!p0 $0x0;
	[bflag:$0x2] =	sbarrier.arrive @p0 $0xFFFF  }
0x4c: {  	[hbm:s1], [sflag:s3] =	dma.local @!p0 [spmem:s2], $0x6200  }
0x4d: {  	s1 =	simm.s32 @!p0 $0x3D  }
0x4e: {  	_ =	swait.ge @!p0 [sflag:s1], $0x6200  }
0x4f: {  	[sflag:s1] =	ssyncset.done @!p0 $0x0  }
0x50: {  	[sflag:s1] =	ssyncadd.s32 @!p0 $0xFFFF9E00  }
0x51: {  	[sflag:s1] =	ssyncpa.u1 @!p0 $0x1  }
0x52: {  	[bflag:$0x0] =	sbarrier.arrive @!p0 $0xFFFF  }
0x53: {  	_ =	strace @!p0 $0x90000047  }
0x54: {  	s0 =	sadd.s32 @!p0 $0x100000, s0;
	[bflag:$0x2] =	sbarrier.arrive @!p0 $0xFFFF  }
0x55: {  	[sflag:s0] =	ssyncadd.tile.s32 @!p0 $0x1;
	_ =	shalt  }
.Lfunc_end2:
_tile_overlayer_lowered:
.L_overlay_start_2:
0x56: {  	(tag) =	ssettag $0x2  }
0x57: {  	s0 =	rddreg [dreg:$0x0];
	s2 =	stileid.u32  }
0x58: {  	s1 =	rddreg [dreg:$0x1];
	p0 =	sne.s32 s2, $0x0  }
0x59: {  	s3 =	rddreg [dreg:$0x2];
	[bflag:$0x3] =	sbarrier.arrive $0xFFFF;
	s2 =	simm.s32 @!p0 $0x1C01  }
0x5a: {  	[timem:s3], [sflag:s2] =	dma.local @!p0 [hbm:s0], s1  }
0x5b: {  	s0 =	simm.s32 @!p0 $0x1  }
0x5c: {  	_ =	swait.ge @!p0 [sflag:s0], s1  }
0x5d: {  	s1 =	ssub.s32 @!p0 $0x0, s1;
	[sflag:s0] =	ssyncset.done @!p0 $0x0  }
0x5e: {  	[sflag:s0] =	ssyncadd.s32 @!p0 s1  }
0x5f: {  	[bflag:$0x3] =	sbarrier.arrive $0xFFFF  }
0x60: {  	_ =	shalt  }

</sc_bundles>
